<compile_context>
chip_gen: v7x
topology: tpu7x:2x2x1
jax: 0.10.2.dev20260603
libtpu: 0.0.44.dev20260713+nightly
codegen_flags: <defaults>
</compile_context>

<pallas_src>
import functools

import jax
import jax.numpy as jnp
from jax import lax
from jax.experimental import pallas as pl
from jax.experimental.pallas import tpu as pltpu
from jax.experimental.pallas import tpu_sc as plsc

_K = 8192
_D = 32
_N = 8192
_TILE = 1024
_BETA = 0.25

_NC = 2
_NS = 16
_NW = _NC * _NS
_BPW = _N // _NW
_GCH = 128
_CPW = _BPW // _GCH
_DPAD = 128


def _dist_argmin_body(z2_ref, e2_ref, z_ref, emb_ref, idx_ref, dsum_ref):
    mm = lax.dot_general(z_ref[...], emb_ref[...],
                         dimension_numbers=(((1,), (1,)), ((), ())))
    d = (z2_ref[...] + e2_ref[...]) - 2.0 * mm
    dmin = jnp.min(d, axis=1, keepdims=True)
    kiota = lax.broadcasted_iota(jnp.int32, (_TILE, _K), 1)
    idx = jnp.min(jnp.where(d == dmin, kiota, _K), axis=1)
    i = pl.program_id(0)
    idx_ref[i // (1024 // _TILE), pl.ds((i % (1024 // _TILE)) * _TILE, _TILE)] = idx

    @pl.when(i == 0)
    def _init():
        dsum_ref[0, 0] = 0.0

    dsum_ref[0, 0] += jnp.sum(dmin)


_dist_call = pl.pallas_call(
    _dist_argmin_body,
    grid=(_N // _TILE,),
    in_specs=[
        pl.BlockSpec((_TILE, 1), lambda i: (i, 0)),
        pl.BlockSpec((1, _K), lambda i: (0, 0)),
        pl.BlockSpec((_TILE, _D), lambda i: (i, 0)),
        pl.BlockSpec((_K, _D), lambda i: (0, 0)),
    ],
    out_specs=[
        pl.BlockSpec((8, 1024), lambda i: (0, 0)),
        pl.BlockSpec((1, 1), lambda i: (0, 0), memory_space=pltpu.SMEM),
    ],
    out_shape=[
        jax.ShapeDtypeStruct((8, 1024), jnp.int32),
        jax.ShapeDtypeStruct((1, 1), jnp.float32),
    ],
)


@functools.cache
def _build_gather_kernel():
    @functools.partial(
        pl.kernel,
        mesh=plsc.VectorSubcoreMesh(core_axis_name="c", subcore_axis_name="s"),
        out_type=jax.ShapeDtypeStruct((_N, _DPAD), jnp.float32),
        scratch_types=[
            pltpu.VMEM((_CPW, _GCH), jnp.int32),
            pltpu.VMEM((_BPW, _DPAD), jnp.float32),
            pltpu.SemaphoreType.DMA,
        ],
    )
    def _gather_kernel(idx_hbm, table_hbm, out_hbm, idx_v, rows_v, sem):
        wid = lax.axis_index("s") * _NC + lax.axis_index("c")
        row = wid // 4
        col = (wid % 4) * _BPW
        for j in range(_CPW):
            pltpu.sync_copy(idx_hbm.at[row, pl.ds(col + j * _GCH, _GCH)],
                            idx_v.at[j])
        copies = [
            pltpu.async_copy(table_hbm.at[idx_v.at[j]],
                             rows_v.at[pl.ds(j * _GCH, _GCH)], sem)
            for j in range(_CPW)
        ]
        for c in copies:
            c.wait()
        pltpu.sync_copy(rows_v, out_hbm.at[pl.ds(wid * _BPW, _BPW)])

    return _gather_kernel


def _st_transpose_body(z_ref, q_ref, out_ref):
    q = q_ref[:, 0:_D]
    st = z_ref[...] + (q - z_ref[...])
    out_ref[0] = st.T.reshape(_D, 32, 32)


_st_call = pl.pallas_call(
    _st_transpose_body,
    grid=(8,),
    in_specs=[
        pl.BlockSpec((_N // 8, _D), lambda i: (i, 0)),
        pl.BlockSpec((_N // 8, _DPAD), lambda i: (i, 0)),
    ],
    out_specs=pl.BlockSpec((1, _D, 32, 32), lambda i: (i, 0, 0, 0)),
    out_shape=jax.ShapeDtypeStruct((8, _D, 32, 32), jnp.float32),
)


def kernel(z, embedding):
    b, c, h, w = z.shape
    zf = jnp.transpose(z, (0, 2, 3, 1)).reshape(-1, _D)
    z2 = jnp.sum(zf ** 2, axis=1, keepdims=True)
    e2 = jnp.sum(embedding ** 2, axis=1).reshape(1, _K)
    idx_out, dsum = _dist_call(z2, e2, zf, embedding)

    emb_pad = jnp.pad(embedding, ((0, 0), (0, _DPAD - _D)))
    q = _build_gather_kernel()(idx_out, emb_pad)

    out = _st_call(zf, q)

    mean_min_dist = dsum[0, 0] / (_N * _D)
    loss = mean_min_dist + _BETA * mean_min_dist
    return (out, loss, idx_out)

# --- scband reference (transcript-rebuilt; emitter-appended) ---
"""Pipeline reference for scband-vector-quantizer-6605659701614 (READ-ONLY COPY).

The authoritative reference and input builder live on the scoring server;
editing this copy changes nothing except your own understanding.
"""

import jax, jax.numpy as jnp
import numpy as np

NUM_EMBEDDINGS = 8192
EMBEDDING_DIM = 32
BETA = 0.25


def setup_inputs(seed: int = 0) -> dict:
    key = jax.random.key(seed)
    k1, k2 = jax.random.split(key)
    z = jax.random.normal(k1, (8, 32, 32, 32), dtype=jnp.float32)
    embedding = jax.random.uniform(
        k2, (NUM_EMBEDDINGS, EMBEDDING_DIM), dtype=jnp.float32,
        minval=-1.0 / NUM_EMBEDDINGS, maxval=1.0 / NUM_EMBEDDINGS)
    return {"z": z, "embedding": embedding}


def reference(z, embedding):
    # z: [B, C, H, W] with C == EMBEDDING_DIM
    z_flattened = jnp.transpose(z, (0, 2, 3, 1))  # [B, H, W, C]
    flat_z = z_flattened.reshape(-1, EMBEDDING_DIM)  # [BHW, C]
    distances = (jnp.sum(flat_z ** 2, axis=1, keepdims=True)
                 + jnp.sum(embedding ** 2, axis=1)
                 - 2.0 * jnp.matmul(flat_z, embedding.T))  # [BHW, K]
    encoding_indices = jnp.argmin(distances, axis=1)  # [BHW]
    encodings = jax.nn.one_hot(encoding_indices, NUM_EMBEDDINGS, dtype=flat_z.dtype)  # [BHW, K]
    quantized = jnp.matmul(encodings, embedding).reshape(z_flattened.shape)  # [B, H, W, C]
    q_latent_loss = jnp.mean((jax.lax.stop_gradient(quantized) - z_flattened) ** 2)
    e_latent_loss = jnp.mean((quantized - jax.lax.stop_gradient(z_flattened)) ** 2)
    loss = q_latent_loss + BETA * e_latent_loss
    quantized_st = z_flattened + jax.lax.stop_gradient(quantized - z_flattened)
    out = jnp.transpose(quantized_st, (0, 3, 1, 2))  # [B, C, H, W]
    return (out, loss, encoding_indices.reshape(z.shape[0], -1))

if __name__ == "__main__":
    import jax
    _d = setup_inputs()
    print(jax.jit(kernel)(*tuple(_d.values())))

</pallas_src>

<mosaic_0001>
#map = affine_map<(d0, d1) -> (0, 0)>
module attributes {stable_mosaic.version = 14 : i64} {
  func.func @_gather_kernel(%arg0: i32, %arg1: i32, %arg2: memref<8x1024xi32, #tpu.memory_space<hbm>>, %arg3: memref<8192x128xf32, #tpu.memory_space<hbm>>, %arg4: memref<8192x128xf32, #tpu.memory_space<hbm>>, %arg5: memref<2x128xi32, #tpu.memory_space<vmem>>, %arg6: memref<256x128xf32, #tpu.memory_space<vmem>>, %arg7: memref<!tpu.dma_semaphore, #tpu.memory_space<semaphore_mem>>) attributes {dimension_semantics = [#tpu.dimension_semantics<core_parallel>, #tpu.dimension_semantics<subcore_parallel>], iteration_bounds = array<i64: 2, 16>, scalar_prefetch = 0 : i64, scratch_operands = 3 : i64, tpu.core_type = #tpu.core_type<sc_vector_subcore>, window_params = [{transform_indices = #map}, {transform_indices = #map}, {transform_indices = #map}]} {
    %mul3A = arith.constant 2 : i32
    %mul3A_0 = arith.muli %arg1, %mul3A : i32
    %add3A = arith.addi %mul3A_0, %arg0 : i32
    %jit3A = arith.constant 4 : i32
    %div3A = arith.divsi %add3A, %jit3A : i32
    %sign3A = arith.constant 0 : i32
    %sign3A_1 = arith.cmpi sgt, %add3A, %sign3A : i32
    %sign3A_2 = arith.extui %sign3A_1 : i1 to i32
    %sign3A_3 = arith.constant 0 : i32
    %sign3A_4 = arith.cmpi slt, %add3A, %sign3A_3 : i32
    %sign3A_5 = arith.extui %sign3A_4 : i1 to i32
    %sign3A_6 = arith.subi %sign3A_2, %sign3A_5 : i32
    %sign3A_7 = arith.constant 0 : i32
    %sign3A_8 = arith.cmpi sgt, %jit3A, %sign3A_7 : i32
    %sign3A_9 = arith.extui %sign3A_8 : i1 to i32
    %sign3A_10 = arith.constant 0 : i32
    %sign3A_11 = arith.cmpi slt, %jit3A, %sign3A_10 : i32
    %sign3A_12 = arith.extui %sign3A_11 : i1 to i32
    %sign3A_13 = arith.subi %sign3A_9, %sign3A_12 : i32
    %ne3A = arith.cmpi ne, %sign3A_6, %sign3A_13 : i32
    %rem3A = arith.remsi %add3A, %jit3A : i32
    %ne3A_14 = arith.constant 0 : i32
    %ne3A_15 = arith.cmpi ne, %rem3A, %ne3A_14 : i32
    %and3A = arith.andi %ne3A, %ne3A_15 : i1
    %sub3A = arith.constant 1 : i32
    %sub3A_16 = arith.subi %div3A, %sub3A : i32
    %select_n3A = arith.select %and3A, %sub3A_16, %div3A : i32
    %jit3A_17 = arith.constant 4 : i32
    %eq3A = arith.constant 0 : i32
    %eq3A_18 = arith.cmpi eq, %jit3A_17, %eq3A : i32
    %jit3A_19 = arith.constant 1 : i32
    %select_n3A_20 = arith.select %eq3A_18, %jit3A_19, %jit3A_17 : i32
    %rem3A_21 = arith.remsi %add3A, %select_n3A_20 : i32
    %ne3A_22 = arith.constant 0 : i32
    %ne3A_23 = arith.cmpi ne, %rem3A_21, %ne3A_22 : i32
    %lt3A = arith.constant 0 : i32
    %lt3A_24 = arith.cmpi slt, %rem3A_21, %lt3A : i32
    %lt3A_25 = arith.constant 0 : i32
    %lt3A_26 = arith.cmpi slt, %select_n3A_20, %lt3A_25 : i32
    %ne3A_27 = arith.xori %lt3A_24, %lt3A_26 : i1
    %and3A_28 = arith.andi %ne3A_27, %ne3A_23 : i1
    %add3A_29 = arith.addi %rem3A_21, %select_n3A_20 : i32
    %select_n3A_30 = arith.select %and3A_28, %add3A_29, %rem3A_21 : i32
    %mul3A_31 = arith.constant 256 : i32
    %mul3A_32 = arith.muli %select_n3A_30, %mul3A_31 : i32
    %add3A_33 = arith.constant 0 : i32
    %add3A_34 = arith.addi %mul3A_32, %add3A_33 : i32
    %run_scoped3A = arith.constant 0 : i32
    "tpu.region"() ({
      %run_scoped3A_78 = tpu.sem_alloc : memref<!tpu.dma_semaphore, #tpu.memory_space<semaphore_mem>>
      %dma_start3A_79 = arith.constant 0 : i32
      %dma_start3A_80 = tpu.memref_slice %arg5[%run_scoped3A, %dma_start3A_79] : memref<2x128xi32, #tpu.memory_space<vmem>> -> memref<1x128xi32, #tpu.memory_space<vmem>>
      %dma_start3A_81 = tpu.memref_squeeze %dma_start3A_80 : memref<1x128xi32, #tpu.memory_space<vmem>> -> memref<128xi32, #tpu.memory_space<vmem>>
      %dma_start3A_82 = tpu.memref_slice %arg2[%select_n3A, %add3A_34] : memref<8x1024xi32, #tpu.memory_space<hbm>> -> memref<1x128xi32, #tpu.memory_space<hbm>>
      %dma_start3A_83 = tpu.memref_squeeze %dma_start3A_82 : memref<1x128xi32, #tpu.memory_space<hbm>> -> memref<128xi32, #tpu.memory_space<hbm>>
      %dma_start3A_84 = arith.constant 0 : i32
      %dma_start3A_85 = tpu.memref_slice %arg5[%run_scoped3A, %dma_start3A_84] : memref<2x128xi32, #tpu.memory_space<vmem>> -> memref<1x128xi32, #tpu.memory_space<vmem>>
      %dma_start3A_86 = tpu.memref_squeeze %dma_start3A_85 : memref<1x128xi32, #tpu.memory_space<vmem>> -> memref<128xi32, #tpu.memory_space<vmem>>
      %dma_start3A_87 = tpu.memref_slice %arg2[%select_n3A, %add3A_34] : memref<8x1024xi32, #tpu.memory_space<hbm>> -> memref<1x128xi32, #tpu.memory_space<hbm>>
      %dma_start3A_88 = tpu.memref_squeeze %dma_start3A_87 : memref<1x128xi32, #tpu.memory_space<hbm>> -> memref<128xi32, #tpu.memory_space<hbm>>
      tpu.enqueue_dma source(%dma_start3A_88 : memref<128xi32, #tpu.memory_space<hbm>>) target(%dma_start3A_86 : memref<128xi32, #tpu.memory_space<vmem>>) target_semaphore(%run_scoped3A_78 : memref<!tpu.dma_semaphore, #tpu.memory_space<semaphore_mem>>)
      %dma_wait3A_89 = arith.constant 0 : i32
      %dma_wait3A_90 = tpu.memref_slice %arg5[%run_scoped3A, %dma_wait3A_89] : memref<2x128xi32, #tpu.memory_space<vmem>> -> memref<1x128xi32, #tpu.memory_space<vmem>>
      %dma_wait3A_91 = tpu.memref_squeeze %dma_wait3A_90 : memref<1x128xi32, #tpu.memory_space<vmem>> -> memref<128xi32, #tpu.memory_space<vmem>>
      %dma_wait3A_92 = tpu.memref_slice %arg2[%select_n3A, %add3A_34] : memref<8x1024xi32, #tpu.memory_space<hbm>> -> memref<1x128xi32, #tpu.memory_space<hbm>>
      %dma_wait3A_93 = tpu.memref_squeeze %dma_wait3A_92 : memref<1x128xi32, #tpu.memory_space<hbm>> -> memref<128xi32, #tpu.memory_space<hbm>>
      %dma_wait3A_94 = arith.constant 0 : i32
      %dma_wait3A_95 = tpu.memref_slice %arg5[%run_scoped3A, %dma_wait3A_94] : memref<2x128xi32, #tpu.memory_space<vmem>> -> memref<1x128xi32, #tpu.memory_space<vmem>>
      %dma_wait3A_96 = tpu.memref_squeeze %dma_wait3A_95 : memref<1x128xi32, #tpu.memory_space<vmem>> -> memref<128xi32, #tpu.memory_space<vmem>>
      %dma_wait3A_97 = tpu.memref_slice %arg2[%select_n3A, %add3A_34] : memref<8x1024xi32, #tpu.memory_space<hbm>> -> memref<1x128xi32, #tpu.memory_space<hbm>>
      %dma_wait3A_98 = tpu.memref_squeeze %dma_wait3A_97 : memref<1x128xi32, #tpu.memory_space<hbm>> -> memref<128xi32, #tpu.memory_space<hbm>>
      tpu.wait_dma2 semaphore(%run_scoped3A_78 : memref<!tpu.dma_semaphore, #tpu.memory_space<semaphore_mem>>) src(%dma_wait3A_98 : memref<128xi32, #tpu.memory_space<hbm>>) dst(%dma_wait3A_96 : memref<128xi32, #tpu.memory_space<vmem>>)
      tpu.yield
    }) : () -> ()
    %add3A_35 = arith.constant 128 : i32
    %add3A_36 = arith.addi %mul3A_32, %add3A_35 : i32
    %run_scoped3A_37 = arith.constant 1 : i32
    "tpu.region"() ({
      %run_scoped3A_78 = tpu.sem_alloc : memref<!tpu.dma_semaphore, #tpu.memory_space<semaphore_mem>>
      %dma_start3A_79 = arith.constant 0 : i32
      %dma_start3A_80 = tpu.memref_slice %arg5[%run_scoped3A_37, %dma_start3A_79] : memref<2x128xi32, #tpu.memory_space<vmem>> -> memref<1x128xi32, #tpu.memory_space<vmem>>
      %dma_start3A_81 = tpu.memref_squeeze %dma_start3A_80 : memref<1x128xi32, #tpu.memory_space<vmem>> -> memref<128xi32, #tpu.memory_space<vmem>>
      %dma_start3A_82 = tpu.memref_slice %arg2[%select_n3A, %add3A_36] : memref<8x1024xi32, #tpu.memory_space<hbm>> -> memref<1x128xi32, #tpu.memory_space<hbm>>
      %dma_start3A_83 = tpu.memref_squeeze %dma_start3A_82 : memref<1x128xi32, #tpu.memory_space<hbm>> -> memref<128xi32, #tpu.memory_space<hbm>>
      %dma_start3A_84 = arith.constant 0 : i32
      %dma_start3A_85 = tpu.memref_slice %arg5[%run_scoped3A_37, %dma_start3A_84] : memref<2x128xi32, #tpu.memory_space<vmem>> -> memref<1x128xi32, #tpu.memory_space<vmem>>
      %dma_start3A_86 = tpu.memref_squeeze %dma_start3A_85 : memref<1x128xi32, #tpu.memory_space<vmem>> -> memref<128xi32, #tpu.memory_space<vmem>>
      %dma_start3A_87 = tpu.memref_slice %arg2[%select_n3A, %add3A_36] : memref<8x1024xi32, #tpu.memory_space<hbm>> -> memref<1x128xi32, #tpu.memory_space<hbm>>
      %dma_start3A_88 = tpu.memref_squeeze %dma_start3A_87 : memref<1x128xi32, #tpu.memory_space<hbm>> -> memref<128xi32, #tpu.memory_space<hbm>>
      tpu.enqueue_dma source(%dma_start3A_88 : memref<128xi32, #tpu.memory_space<hbm>>) target(%dma_start3A_86 : memref<128xi32, #tpu.memory_space<vmem>>) target_semaphore(%run_scoped3A_78 : memref<!tpu.dma_semaphore, #tpu.memory_space<semaphore_mem>>)
      %dma_wait3A_89 = arith.constant 0 : i32
      %dma_wait3A_90 = tpu.memref_slice %arg5[%run_scoped3A_37, %dma_wait3A_89] : memref<2x128xi32, #tpu.memory_space<vmem>> -> memref<1x128xi32, #tpu.memory_space<vmem>>
      %dma_wait3A_91 = tpu.memref_squeeze %dma_wait3A_90 : memref<1x128xi32, #tpu.memory_space<vmem>> -> memref<128xi32, #tpu.memory_space<vmem>>
      %dma_wait3A_92 = tpu.memref_slice %arg2[%select_n3A, %add3A_36] : memref<8x1024xi32, #tpu.memory_space<hbm>> -> memref<1x128xi32, #tpu.memory_space<hbm>>
      %dma_wait3A_93 = tpu.memref_squeeze %dma_wait3A_92 : memref<1x128xi32, #tpu.memory_space<hbm>> -> memref<128xi32, #tpu.memory_space<hbm>>
      %dma_wait3A_94 = arith.constant 0 : i32
      %dma_wait3A_95 = tpu.memref_slice %arg5[%run_scoped3A_37, %dma_wait3A_94] : memref<2x128xi32, #tpu.memory_space<vmem>> -> memref<1x128xi32, #tpu.memory_space<vmem>>
      %dma_wait3A_96 = tpu.memref_squeeze %dma_wait3A_95 : memref<1x128xi32, #tpu.memory_space<vmem>> -> memref<128xi32, #tpu.memory_space<vmem>>
      %dma_wait3A_97 = tpu.memref_slice %arg2[%select_n3A, %add3A_36] : memref<8x1024xi32, #tpu.memory_space<hbm>> -> memref<1x128xi32, #tpu.memory_space<hbm>>
      %dma_wait3A_98 = tpu.memref_squeeze %dma_wait3A_97 : memref<1x128xi32, #tpu.memory_space<hbm>> -> memref<128xi32, #tpu.memory_space<hbm>>
      tpu.wait_dma2 semaphore(%run_scoped3A_78 : memref<!tpu.dma_semaphore, #tpu.memory_space<semaphore_mem>>) src(%dma_wait3A_98 : memref<128xi32, #tpu.memory_space<hbm>>) dst(%dma_wait3A_96 : memref<128xi32, #tpu.memory_space<vmem>>)
      tpu.yield
    }) : () -> ()
    %dma_start3A = arith.constant 0 : i32
    %dma_start3A_38 = arith.constant 0 : i32
    %dma_start3A_39 = arith.constant 0 : i32
    %dma_start3A_40 = tpu.memref_slice %arg6[%dma_start3A_38, %dma_start3A_39] : memref<256x128xf32, #tpu.memory_space<vmem>> -> memref<128x128xf32, #tpu.memory_space<vmem>>
    %dma_start3A_41 = arith.constant 0 : i32
    %dma_start3A_42 = tpu.memref_slice %arg5[%dma_start3A, %dma_start3A_41] : memref<2x128xi32, #tpu.memory_space<vmem>> -> memref<1x128xi32, #tpu.memory_space<vmem>>
    %dma_start3A_43 = tpu.memref_squeeze %dma_start3A_42 : memref<1x128xi32, #tpu.memory_space<vmem>> -> memref<128xi32, #tpu.memory_space<vmem>>
    %dma_start3A_44 = arith.constant 0 : i32
    %dma_start3A_45 = arith.constant 0 : i32
    %dma_start3A_46 = tpu.memref_slice %arg3[%dma_start3A_44, %dma_start3A_45] : memref<8192x128xf32, #tpu.memory_space<hbm>> -> memref<8192x128xf32, #tpu.memory_space<hbm>>
    tpu.enqueue_indirect_dma source(%dma_start3A_46 : memref<8192x128xf32, #tpu.memory_space<hbm>>) target(%dma_start3A_40 : memref<128x128xf32, #tpu.memory_space<vmem>>) offsets(%dma_start3A_43 : memref<128xi32, #tpu.memory_space<vmem>>) semaphore(%arg7 : memref<!tpu.dma_semaphore, #tpu.memory_space<semaphore_mem>>)
    %dma_start3A_47 = arith.constant 1 : i32
    %dma_start3A_48 = arith.constant 128 : i32
    %dma_start3A_49 = arith.constant 0 : i32
    %dma_start3A_50 = tpu.memref_slice %arg6[%dma_start3A_48, %dma_start3A_49] : memref<256x128xf32, #tpu.memory_space<vmem>> -> memref<128x128xf32, #tpu.memory_space<vmem>>
    %dma_start3A_51 = arith.constant 0 : i32
    %dma_start3A_52 = tpu.memref_slice %arg5[%dma_start3A_47, %dma_start3A_51] : memref<2x128xi32, #tpu.memory_space<vmem>> -> memref<1x128xi32, #tpu.memory_space<vmem>>
    %dma_start3A_53 = tpu.memref_squeeze %dma_start3A_52 : memref<1x128xi32, #tpu.memory_space<vmem>> -> memref<128xi32, #tpu.memory_space<vmem>>
    %dma_start3A_54 = arith.constant 0 : i32
    %dma_start3A_55 = arith.constant 0 : i32
    %dma_start3A_56 = tpu.memref_slice %arg3[%dma_start3A_54, %dma_start3A_55] : memref<8192x128xf32, #tpu.memory_space<hbm>> -> memref<8192x128xf32, #tpu.memory_space<hbm>>
    tpu.enqueue_indirect_dma source(%dma_start3A_56 : memref<8192x128xf32, #tpu.memory_space<hbm>>) target(%dma_start3A_50 : memref<128x128xf32, #tpu.memory_space<vmem>>) offsets(%dma_start3A_53 : memref<128xi32, #tpu.memory_space<vmem>>) semaphore(%arg7 : memref<!tpu.dma_semaphore, #tpu.memory_space<semaphore_mem>>)
    %dma_wait3A = arith.constant 0 : i32
    %dma_wait3A_57 = arith.constant 0 : i32
    %dma_wait3A_58 = arith.constant 0 : i32
    %dma_wait3A_59 = tpu.memref_slice %arg6[%dma_wait3A_57, %dma_wait3A_58] : memref<256x128xf32, #tpu.memory_space<vmem>> -> memref<128x128xf32, #tpu.memory_space<vmem>>
    %dma_wait3A_60 = arith.constant 0 : i32
    %dma_wait3A_61 = tpu.memref_slice %arg5[%dma_wait3A, %dma_wait3A_60] : memref<2x128xi32, #tpu.memory_space<vmem>> -> memref<1x128xi32, #tpu.memory_space<vmem>>
    %dma_wait3A_62 = tpu.memref_squeeze %dma_wait3A_61 : memref<1x128xi32, #tpu.memory_space<vmem>> -> memref<128xi32, #tpu.memory_space<vmem>>
    %dma_wait3A_63 = arith.constant 0 : i32
    %dma_wait3A_64 = arith.constant 0 : i32
    %dma_wait3A_65 = tpu.memref_slice %arg3[%dma_wait3A_63, %dma_wait3A_64] : memref<8192x128xf32, #tpu.memory_space<hbm>> -> memref<8192x128xf32, #tpu.memory_space<hbm>>
    tpu.wait_indirect_dma semaphore(%arg7 : memref<!tpu.dma_semaphore, #tpu.memory_space<semaphore_mem>>) src(%dma_wait3A_65 : memref<8192x128xf32, #tpu.memory_space<hbm>>) dst(%dma_wait3A_59 : memref<128x128xf32, #tpu.memory_space<vmem>>)
    %dma_wait3A_66 = arith.constant 1 : i32
    %dma_wait3A_67 = arith.constant 128 : i32
    %dma_wait3A_68 = arith.constant 0 : i32
    %dma_wait3A_69 = tpu.memref_slice %arg6[%dma_wait3A_67, %dma_wait3A_68] : memref<256x128xf32, #tpu.memory_space<vmem>> -> memref<128x128xf32, #tpu.memory_space<vmem>>
    %dma_wait3A_70 = arith.constant 0 : i32
    %dma_wait3A_71 = tpu.memref_slice %arg5[%dma_wait3A_66, %dma_wait3A_70] : memref<2x128xi32, #tpu.memory_space<vmem>> -> memref<1x128xi32, #tpu.memory_space<vmem>>
    %dma_wait3A_72 = tpu.memref_squeeze %dma_wait3A_71 : memref<1x128xi32, #tpu.memory_space<vmem>> -> memref<128xi32, #tpu.memory_space<vmem>>
    %dma_wait3A_73 = arith.constant 0 : i32
    %dma_wait3A_74 = arith.constant 0 : i32
    %dma_wait3A_75 = tpu.memref_slice %arg3[%dma_wait3A_73, %dma_wait3A_74] : memref<8192x128xf32, #tpu.memory_space<hbm>> -> memref<8192x128xf32, #tpu.memory_space<hbm>>
    tpu.wait_indirect_dma semaphore(%arg7 : memref<!tpu.dma_semaphore, #tpu.memory_space<semaphore_mem>>) src(%dma_wait3A_75 : memref<8192x128xf32, #tpu.memory_space<hbm>>) dst(%dma_wait3A_69 : memref<128x128xf32, #tpu.memory_space<vmem>>)
    %mul3A_76 = arith.constant 256 : i32
    %mul3A_77 = arith.muli %add3A, %mul3A_76 : i32
    "tpu.region"() ({
      %run_scoped3A_78 = tpu.sem_alloc : memref<!tpu.dma_semaphore, #tpu.memory_space<semaphore_mem>>
      %dma_start3A_79 = arith.constant 0 : i32
      %dma_start3A_80 = tpu.memref_slice %arg4[%mul3A_77, %dma_start3A_79] : memref<8192x128xf32, #tpu.memory_space<hbm>> -> memref<256x128xf32, #tpu.memory_space<hbm>>
      %dma_start3A_81 = arith.constant 0 : i32
      %dma_start3A_82 = tpu.memref_slice %arg4[%mul3A_77, %dma_start3A_81] : memref<8192x128xf32, #tpu.memory_space<hbm>> -> memref<256x128xf32, #tpu.memory_space<hbm>>
      tpu.enqueue_dma source(%arg6 : memref<256x128xf32, #tpu.memory_space<vmem>>) target(%dma_start3A_82 : memref<256x128xf32, #tpu.memory_space<hbm>>) target_semaphore(%run_scoped3A_78 : memref<!tpu.dma_semaphore, #tpu.memory_space<semaphore_mem>>)
      %dma_wait3A_83 = arith.constant 0 : i32
      %dma_wait3A_84 = tpu.memref_slice %arg4[%mul3A_77, %dma_wait3A_83] : memref<8192x128xf32, #tpu.memory_space<hbm>> -> memref<256x128xf32, #tpu.memory_space<hbm>>
      %dma_wait3A_85 = arith.constant 0 : i32
      %dma_wait3A_86 = tpu.memref_slice %arg4[%mul3A_77, %dma_wait3A_85] : memref<8192x128xf32, #tpu.memory_space<hbm>> -> memref<256x128xf32, #tpu.memory_space<hbm>>
      tpu.wait_dma2 semaphore(%run_scoped3A_78 : memref<!tpu.dma_semaphore, #tpu.memory_space<semaphore_mem>>) src(%arg6 : memref<256x128xf32, #tpu.memory_space<vmem>>) dst(%dma_wait3A_86 : memref<256x128xf32, #tpu.memory_space<hbm>>)
      tpu.yield
    }) : () -> ()
    return
  }
}

module attributes {stable_mosaic.version = 14 : i64} {
  func.func @_dist_argmin_body(%arg0: i32, %arg1: memref<1024x1xf32, #tpu.memory_space<vmem>>, %arg2: memref<1x8192xf32, #tpu.memory_space<vmem>>, %arg3: memref<1024x32xf32, #tpu.memory_space<vmem>>, %arg4: memref<8192x32xf32, #tpu.memory_space<vmem>>, %arg5: memref<8x1024xi32, #tpu.memory_space<vmem>>, %arg6: memref<1x1xf32, #tpu.memory_space<smem>>) attributes {dimension_semantics = [#tpu.dimension_semantics<arbitrary>], iteration_bounds = array<i64: 8>, scalar_prefetch = 0 : i64, scratch_operands = 0 : i64, tpu.core_type = #tpu.core_type<tc>, window_params = [{transform_indices = @transform_0, window_bounds = array<i64: 1024, 1>}, {pipeline_mode = #tpu.pipeline_mode<synchronous>, transform_indices = @transform_1, window_bounds = array<i64: 1, 8192>}, {transform_indices = @transform_2, window_bounds = array<i64: 1024, 32>}, {pipeline_mode = #tpu.pipeline_mode<synchronous>, transform_indices = @transform_3, window_bounds = array<i64: 8192, 32>}, {pipeline_mode = #tpu.pipeline_mode<synchronous>, transform_indices = @transform_4, window_bounds = array<i64: 8, 1024>}, {transform_indices = @transform_5, window_bounds = array<i64: 1, 1>}]} {
    %get3A = arith.constant 0 : index
    %get3A_0 = arith.constant 0 : index
    %get3A_1 = vector.load %arg3[%get3A, %get3A_0] : memref<1024x32xf32, #tpu.memory_space<vmem>>, vector<1024x32xf32>
    %get3A_2 = arith.constant 0 : index
    %get3A_3 = arith.constant 0 : index
    %get3A_4 = vector.load %arg4[%get3A_2, %get3A_3] : memref<8192x32xf32, #tpu.memory_space<vmem>>, vector<8192x32xf32>
    %dot_general3A = arith.constant dense<0.000000e+00> : vector<1024x8192xf32>
    %dot_general3A_5 = tpu.matmul %get3A_1, %get3A_4, %dot_general3A {dimension_numbers = #tpu.dot_dimension_numbers<[1], [1], [0], [0], [0, 0, 1, 0], [], []>, transpose_lhs_hint = false} : vector<1024x32xf32>, vector<8192x32xf32>, vector<1024x8192xf32> -> vector<1024x8192xf32>
    %get3A_6 = arith.constant 0 : index
    %get3A_7 = arith.constant 0 : index
    %get3A_8 = vector.load %arg1[%get3A_6, %get3A_7] : memref<1024x1xf32, #tpu.memory_space<vmem>>, vector<1024x1xf32>
    %get3A_9 = arith.constant 0 : index
    %get3A_10 = arith.constant 0 : index
    %get3A_11 = vector.load %arg2[%get3A_9, %get3A_10] : memref<1x8192xf32, #tpu.memory_space<vmem>>, vector<1x8192xf32>
    %add3A = vector.broadcast %get3A_8 : vector<1024x1xf32> to vector<1024x8192xf32>
    %add3A_12 = vector.broadcast %get3A_11 : vector<1x8192xf32> to vector<1024x8192xf32>
    %add3A_13 = arith.addf %add3A, %add3A_12 : vector<1024x8192xf32>
    %mul3A = arith.constant 2.000000e+00 : f32
    %mul3A_14 = vector.broadcast %mul3A : f32 to vector<1024x8192xf32>
    %mul3A_15 = arith.mulf %mul3A_14, %dot_general3A_5 : vector<1024x8192xf32>
    %sub3A = arith.subf %add3A_13, %mul3A_15 : vector<1024x8192xf32>
    %reduce_min3A = arith.constant dense<0x7F800000> : vector<1024xf32>
    %reduce_min3A_16 = vector.multi_reduction <minimumf>, %sub3A, %reduce_min3A [1] : vector<1024x8192xf32> to vector<1024xf32>
    %broadcast_in_dim3A = vector.shape_cast %reduce_min3A_16 : vector<1024xf32> to vector<1024x1xf32>
    %iota3A = tpu.iota {dimensions = array<i32: 1>} : vector<1024x8192xi32>
    %eq3A = vector.broadcast %broadcast_in_dim3A : vector<1024x1xf32> to vector<1024x8192xf32>
    %eq3A_17 = arith.cmpf oeq, %sub3A, %eq3A : vector<1024x8192xf32>
    %jit3A = arith.constant 8192 : i32
    %broadcast_in_dim3A_18 = vector.broadcast %jit3A : i32 to vector<1024x8192xi32>
    %select_n3A = arith.select %eq3A_17, %iota3A, %broadcast_in_dim3A_18 : vector<1024x8192xi1>, vector<1024x8192xi32>
    %reduce_min3A_19 = arith.constant dense<2147483647> : vector<1024xi32>
    %reduce_min3A_20 = vector.multi_reduction <minsi>, %select_n3A, %reduce_min3A_19 [1] : vector<1024x8192xi32> to vector<1024xi32>
    %jit3A_21 = arith.constant 1 : i32
    %div3A = arith.divsi %arg0, %jit3A_21 : i32
    %sign3A = arith.constant 0 : i32
    %sign3A_22 = arith.cmpi sgt, %arg0, %sign3A : i32
    %sign3A_23 = arith.extui %sign3A_22 : i1 to i32
    %sign3A_24 = arith.constant 0 : i32
    %sign3A_25 = arith.cmpi slt, %arg0, %sign3A_24 : i32
    %sign3A_26 = arith.extui %sign3A_25 : i1 to i32
    %sign3A_27 = arith.subi %sign3A_23, %sign3A_26 : i32
    %sign3A_28 = arith.constant 0 : i32
    %sign3A_29 = arith.cmpi sgt, %jit3A_21, %sign3A_28 : i32
    %sign3A_30 = arith.extui %sign3A_29 : i1 to i32
    %sign3A_31 = arith.constant 0 : i32
    %sign3A_32 = arith.cmpi slt, %jit3A_21, %sign3A_31 : i32
    %sign3A_33 = arith.extui %sign3A_32 : i1 to i32
    %sign3A_34 = arith.subi %sign3A_30, %sign3A_33 : i32
    %ne3A = arith.cmpi ne, %sign3A_27, %sign3A_34 : i32
    %rem3A = arith.remsi %arg0, %jit3A_21 : i32
    %ne3A_35 = arith.constant 0 : i32
    %ne3A_36 = arith.cmpi ne, %rem3A, %ne3A_35 : i32
    %and3A = arith.andi %ne3A, %ne3A_36 : i1
    %sub3A_37 = arith.constant 1 : i32
    %sub3A_38 = arith.subi %div3A, %sub3A_37 : i32
    %select_n3A_39 = arith.select %and3A, %sub3A_38, %div3A : i32
    %jit3A_40 = arith.constant 1 : i32
    %eq3A_41 = arith.constant 0 : i32
    %eq3A_42 = arith.cmpi eq, %jit3A_40, %eq3A_41 : i32
    %jit3A_43 = arith.constant 1 : i32
    %select_n3A_44 = arith.select %eq3A_42, %jit3A_43, %jit3A_40 : i32
    %rem3A_45 = arith.remsi %arg0, %select_n3A_44 : i32
    %ne3A_46 = arith.constant 0 : i32
    %ne3A_47 = arith.cmpi ne, %rem3A_45, %ne3A_46 : i32
    %lt3A = arith.constant 0 : i32
    %lt3A_48 = arith.cmpi slt, %rem3A_45, %lt3A : i32
    %lt3A_49 = arith.constant 0 : i32
    %lt3A_50 = arith.cmpi slt, %select_n3A_44, %lt3A_49 : i32
    %ne3A_51 = arith.xori %lt3A_48, %lt3A_50 : i1
    %and3A_52 = arith.andi %ne3A_51, %ne3A_47 : i1
    %add3A_53 = arith.addi %rem3A_45, %select_n3A_44 : i32
    %select_n3A_54 = arith.select %and3A_52, %add3A_53, %rem3A_45 : i32
    %mul3A_55 = arith.constant 1024 : i32
    %mul3A_56 = arith.muli %select_n3A_54, %mul3A_55 : i32
    %swap3A = arith.index_cast %select_n3A_39 : i32 to index
    %swap3A_57 = arith.index_cast %mul3A_56 : i32 to index
    %swap3A_58 = vector.load %arg5[%swap3A, %swap3A_57] : memref<8x1024xi32, #tpu.memory_space<vmem>>, vector<1x1024xi32>
    %swap3A_59 = vector.shape_cast %swap3A_58 : vector<1x1024xi32> to vector<1024xi32>
    %swap3A_60 = vector.shape_cast %reduce_min3A_20 : vector<1024xi32> to vector<1x1024xi32>
    tpu.vector_store %arg5[%swap3A, %swap3A_57], %swap3A_60 {strides = array<i32>} : memref<8x1024xi32, #tpu.memory_space<vmem>>, vector<1x1024xi32>,
    %eq3A_61 = arith.constant 0 : i32
    %eq3A_62 = arith.cmpi eq, %arg0, %eq3A_61 : i32
    %convert_element_type3A = arith.extui %eq3A_62 : i1 to i32
    %cond3A = arith.constant 0 : i32
    %cond3A_63 = arith.cmpi ne, %convert_element_type3A, %cond3A : i32
    scf.if %cond3A_63 {
      %swap3A_75 = arith.constant 0.000000e+00 : f32
      %swap3A_76 = arith.constant 0 : index
      %swap3A_77 = arith.constant 0 : index
      %swap3A_78 = memref.load %arg6[%swap3A_76, %swap3A_77] : memref<1x1xf32, #tpu.memory_space<smem>>
      memref.store %swap3A_75, %arg6[%swap3A_76, %swap3A_77] : memref<1x1xf32, #tpu.memory_space<smem>>
    } else {
    }
    %get3A_64 = arith.constant 0 : index
    %get3A_65 = arith.constant 0 : index
    %get3A_66 = memref.load %arg6[%get3A_64, %get3A_65] : memref<1x1xf32, #tpu.memory_space<smem>>
    %reduce_sum3A = vector.shape_cast %broadcast_in_dim3A : vector<1024x1xf32> to vector<1x1024x1xf32>
    %reduce_sum3A_67 = arith.constant dense<0.000000e+00> : vector<1xf32>
    %reduce_sum3A_68 = vector.multi_reduction <add>, %reduce_sum3A, %reduce_sum3A_67 [1, 2] : vector<1x1024x1xf32> to vector<1xf32>
    %reduce_sum3A_69 = vector.shape_cast %reduce_sum3A_68 : vector<1xf32> to vector<1x1x1xf32>
    %reduce_sum3A_70 = vector.extract %reduce_sum3A_69[0, 0, 0] : f32 from vector<1x1x1xf32>
    %add3A_71 = arith.addf %get3A_66, %reduce_sum3A_70 : f32
    %swap3A_72 = arith.constant 0 : index
    %swap3A_73 = arith.constant 0 : index
    %swap3A_74 = memref.load %arg6[%swap3A_72, %swap3A_73] : memref<1x1xf32, #tpu.memory_space<smem>>
    memref.store %add3A_71, %arg6[%swap3A_72, %swap3A_73] : memref<1x1xf32, #tpu.memory_space<smem>>
    return
  }
  func.func @transform_0(%arg0: i32) -> (i32, i32) {
    %c0_i32 = arith.constant 0 : i32
    %c0_i32_0 = arith.constant 0 : i32
    return %arg0, %c0_i32 : i32, i32
  }
  func.func @transform_1(%arg0: i32) -> (i32, i32) {
    %c0_i32 = arith.constant 0 : i32
    %c0_i32_0 = arith.constant 0 : i32
    %c0_i32_1 = arith.constant 0 : i32
    return %c0_i32, %c0_i32_0 : i32, i32
  }
  func.func @transform_2(%arg0: i32) -> (i32, i32) {
    %c0_i32 = arith.constant 0 : i32
    %c0_i32_0 = arith.constant 0 : i32
    return %arg0, %c0_i32 : i32, i32
  }
  func.func @transform_3(%arg0: i32) -> (i32, i32) {
    %c0_i32 = arith.constant 0 : i32
    %c0_i32_0 = arith.constant 0 : i32
    %c0_i32_1 = arith.constant 0 : i32
    return %c0_i32, %c0_i32_0 : i32, i32
  }
  func.func @transform_4(%arg0: i32) -> (i32, i32) {
    %c0_i32 = arith.constant 0 : i32
    %c0_i32_0 = arith.constant 0 : i32
    %c0_i32_1 = arith.constant 0 : i32
    return %c0_i32, %c0_i32_0 : i32, i32
  }
  func.func @transform_5(%arg0: i32) -> (i32, i32) {
    %c0_i32 = arith.constant 0 : i32
    %c0_i32_0 = arith.constant 0 : i32
    %c0_i32_1 = arith.constant 0 : i32
    return %c0_i32, %c0_i32_0 : i32, i32
  }
}

module attributes {stable_mosaic.version = 14 : i64} {
  func.func @_st_transpose_body(%arg0: i32, %arg1: memref<1024x32xf32, #tpu.memory_space<vmem>>, %arg2: memref<1024x128xf32, #tpu.memory_space<vmem>>, %arg3: memref<1x32x32x32xf32, #tpu.memory_space<vmem>>) attributes {dimension_semantics = [#tpu.dimension_semantics<arbitrary>], iteration_bounds = array<i64: 8>, scalar_prefetch = 0 : i64, scratch_operands = 0 : i64, tpu.core_type = #tpu.core_type<tc>, window_params = [{transform_indices = @transform_0, window_bounds = array<i64: 1024, 32>}, {transform_indices = @transform_1, window_bounds = array<i64: 1024, 128>}, {transform_indices = @transform_2, window_bounds = array<i64: 1, 32, 32, 32>}]} {
    %get3A = arith.constant 0 : index
    %get3A_0 = arith.constant 0 : index
    %get3A_1 = vector.load %arg2[%get3A, %get3A_0] : memref<1024x128xf32, #tpu.memory_space<vmem>>, vector<1024x32xf32>
    %get3A_2 = arith.constant 0 : index
    %get3A_3 = arith.constant 0 : index
    %get3A_4 = vector.load %arg1[%get3A_2, %get3A_3] : memref<1024x32xf32, #tpu.memory_space<vmem>>, vector<1024x32xf32>
    %get3A_5 = arith.constant 0 : index
    %get3A_6 = arith.constant 0 : index
    %get3A_7 = vector.load %arg1[%get3A_5, %get3A_6] : memref<1024x32xf32, #tpu.memory_space<vmem>>, vector<1024x32xf32>
    %sub3A = arith.subf %get3A_1, %get3A_7 : vector<1024x32xf32>
    %add3A = arith.addf %get3A_4, %sub3A : vector<1024x32xf32>
    %transpose3A = tpu.transpose %add3A, [1, 0] : vector<1024x32xf32> -> vector<32x1024xf32>
    %reshape3A = vector.shape_cast %transpose3A : vector<32x1024xf32> to vector<32x32x32xf32>
    %swap3A = arith.constant 0 : index
    %swap3A_8 = arith.constant 0 : index
    %swap3A_9 = arith.constant 0 : index
    %swap3A_10 = arith.constant 0 : index
    %swap3A_11 = vector.load %arg3[%swap3A, %swap3A_8, %swap3A_9, %swap3A_10] : memref<1x32x32x32xf32, #tpu.memory_space<vmem>>, vector<1x32x32x32xf32>
    %swap3A_12 = vector.shape_cast %swap3A_11 : vector<1x32x32x32xf32> to vector<32x32x32xf32>
    %swap3A_13 = vector.shape_cast %reshape3A : vector<32x32x32xf32> to vector<1x32x32x32xf32>
    tpu.vector_store %arg3[%swap3A, %swap3A_8, %swap3A_9, %swap3A_10], %swap3A_13 {strides = array<i32>} : memref<1x32x32x32xf32, #tpu.memory_space<vmem>>, vector<1x32x32x32xf32>,
    return
  }
  func.func @transform_0(%arg0: i32) -> (i32, i32) {
    %c0_i32 = arith.constant 0 : i32
    %c0_i32_0 = arith.constant 0 : i32
    return %arg0, %c0_i32 : i32, i32
  }
  func.func @transform_1(%arg0: i32) -> (i32, i32) {
    %c0_i32 = arith.constant 0 : i32
    %c0_i32_0 = arith.constant 0 : i32
    return %arg0, %c0_i32 : i32, i32
  }
  func.func @transform_2(%arg0: i32) -> (i32, i32, i32, i32) {
    %c0_i32 = arith.constant 0 : i32
    %c0_i32_0 = arith.constant 0 : i32
    %c0_i32_1 = arith.constant 0 : i32
    %c0_i32_2 = arith.constant 0 : i32
    return %arg0, %c0_i32, %c0_i32_0, %c0_i32_1 : i32, i32, i32, i32
  }
}

</mosaic_0001>

<sc_bundles>
// kernel: kernel.5.cloned.1.call-start
scs
__scs_entry_jumppad:
0x0: {  	(pc) =	sbr.rel $0x88, $3  }
0x1: {  	(tag) =	ssettag $0x0;
	lr =	simm.s32 $0x1  }
0x2: {  	[smem:$0x3F9F] =	sst lr;
	_ =	strace $0xD0000000  }
0x3: {  	_ = 	snop  }
0x4: {  	_ = 	snop  }
0x5: {  	_ = 	snop  }
0x6: {  	_ = 	snop  }
0x7: {  	_ = 	snop  }
__scs_overlays_trampoline_lowered:
0x8: {  	[smem:$0x3FAE] =	sst s0  }
0x9: {  	[smem:$0x3FAF] =	sst s1  }
0xa: {  	[smem:$0x3FB0] =	sst s2  }
0xb: {  	[smem:$0x3FB1] =	sst s3  }
0xc: {  	[smem:$0x3FB2] =	sst s4  }
0xd: {  	[smem:$0x3FB3] =	sst s5  }
0xe: {  	[smem:$0x3FB4] =	sst s6  }
0xf: {  	[smem:$0x3FB5] =	sst s7  }
0x10: {  	[smem:$0x3FB6] =	sst s8  }
0x11: {  	[smem:$0x3FB7] =	sst s9;
	s0 =	simm.s32 @!p0 $0x0  }
0x12: {  	s1 =	sld [smem:$0x3F9D];
	s0 =	simm.s32 @p0 $0x1  }
0x13: {  	[smem:$0x3FB8] =	sst s0;
	s0 =	simm.s32 @!p1 $0x0  }
0x14: {  	s2 =	sld [smem:$0x3F9C];
	s0 =	simm.s32 @p1 $0x1  }
0x15: {  	[smem:$0x3FB9] =	sst s0;
	s0 =	simm.s32 @!p2 $0x0  }
0x16: {  	s3 =	sld [smem:$0x3FDB];
	s0 =	simm.s32 @p2 $0x1  }
0x17: {  	s4 =	simm.s32 $0x1BF5;
	[smem:$0x3FBB] =	sst s0  }
0x18: {  	s0 =	sld [smem:$0x3F9E];
	_ =	swait.ge [sflag:s4], $0x0  }
0x19: {  	s7 =	sld [smem:$0x3F9F]  }
0x1a: {  	s8 =	sadd.s32 $0xFFFFE003, lr  }
0x1b: {  	s9 =	sadd.s32 $0xFFFFFEF7, lr;
	s5 =	simm.s32 $0xFFFFFFFF;
	p2 =	slt.u32 s8, $0xFFFFF086  }
0x1c: {  	p1 =	slt.u32 s9, $0xF7A;
	s5 =	simm.s32 @!p2 $0x0  }
0x1d: {  	s5 =	simm.s32 @p1 $0x1;
	p0 =	seq.s32 s7, s2  }
0x1e: {  	s7 =	smul.u32 @!p0 $0xF7A, s2;
	p2 =	seq.s32 @!p0 s5, $0x0  }
0x1f: {  	s9 =	smul.u32 $0xF7A, s1;
	s8 =	simm.s32 @!p0 $0x1BF5;
	p2 =	por !p2, p0  }
0x20: {  	[sflag:s8] =	ssyncset.s32 @!p0 $0xFFFFF086;
	s6 =	sadd.s32 @!p0 s3, s7;
	s7 =	simm.s32 @!p0 $0x108  }
0x21: {  	s3 =	sadd.s32 s3, s9;
	s6 =	sadd.s32 @!p0 $0x88, s6;
	s7 =	simm.s32 @p2 $0x1082  }
0x22: {  	[simem:s7], [sflag:s8] =	dma.local @!p0 [hbm:s6], $0xF7A  }
0x23: {  	s9 =	sor.u32 $0xD0000000, s2;
	s6 =	simm.s32 $0x108;
	_ =	swait.ge @!p0 [sflag:s8], $0x0  }
0x24: {  	s3 =	sadd.s32 $0x88, s3;
	s6 =	simm.s32 @!p1 $0x1082;
	[sflag:s4] =	ssyncset.s32 $0xFFFFF086  }
0x25: {  	[simem:s6], [sflag:s4] =	dma.local [hbm:s3], $0xF7A  }
0x26: {  	[smem:$0x3F9F] =	sst s1;
	(tag) =	ssettag s2;
	_ =	strace s9  }
0x27: {  	s1 =	sld [smem:$0x3FAF]  }
0x28: {  	s2 =	sld [smem:$0x3FB0]  }
0x29: {  	s4 =	sld [smem:$0x3FB2]  }
0x2a: {  	p0 =	seq.s32 s5, $0x0;
	s5 =	sld [smem:$0x3FB3]  }
0x2b: {  	s6 =	sld [smem:$0x3FB4]  }
0x2c: {  	s7 =	sld [smem:$0x3FB5]  }
0x2d: {  	s3 =	simm.s32 $0x108;
	s8 =	sld [smem:$0x3FB6]  }
0x2e: {  	s3 =	simm.s32 @!p0 $0x1082;
	s9 =	sld [smem:$0x3FB7]  }
0x2f: {  	lr =	sadd.s32 s0, s3;
	s0 =	sld [smem:$0x3FAE]  }
0x30: {  	s3 =	sld [smem:$0x3FB1]  }
0x31: {  	[smem:$0x3FBA] =	sst s10  }
0x32: {  	s10 =	sld [smem:$0x3FB8];
	_ =	sdelay $0x3  }
0x33: {  	p0 =	seq.s32 s10, $0x1;
	s10 =	sld [smem:$0x3FBA];
	_ =	sdelay $0x3  }
0x34: {  	[smem:$0x3FBA] =	sst s10  }
0x35: {  	s10 =	sld [smem:$0x3FB9];
	_ =	sdelay $0x3  }
0x36: {  	p1 =	seq.s32 s10, $0x1;
	s10 =	sld [smem:$0x3FBA];
	_ =	sdelay $0x3  }
0x37: {  	[smem:$0x3FBA] =	sst s10  }
0x38: {  	s10 =	sld [smem:$0x3FBB]  }
0x39: {  	_ = 	snop;
	(pc) =	sbr.ind lr, $3  }
0x3a: {  	_ = 	snop  }
0x3b: {  	_ = 	snop  }
0x3c: {  	p2 =	seq.s32 s10, $0x1;
	s10 =	sld [smem:$0x3FBA]  }
0x3d: {  	_ =	shalt  }
0x3e: {  	_ =	shalt  }
0x3f: {  	_ =	shalt  }
0x40: {  	_ =	shalt  }
0x41: {  	_ =	shalt  }
0x42: {  	_ =	shalt  }
0x43: {  	_ =	shalt  }
0x44: {  	_ =	shalt  }
0x45: {  	_ =	shalt  }
0x46: {  	_ =	shalt  }
0x47: {  	_ =	shalt  }
0x48: {  	_ =	shalt  }
0x49: {  	_ =	shalt  }
0x4a: {  	_ =	shalt  }
0x4b: {  	_ =	shalt  }
0x4c: {  	_ =	shalt  }
0x4d: {  	_ =	shalt  }
0x4e: {  	_ =	shalt  }
0x4f: {  	_ =	shalt  }
0x50: {  	_ =	shalt  }
0x51: {  	_ =	shalt  }
0x52: {  	_ =	shalt  }
0x53: {  	_ =	shalt  }
0x54: {  	_ =	shalt  }
0x55: {  	_ =	shalt  }
0x56: {  	_ =	shalt  }
0x57: {  	_ =	shalt  }
0x58: {  	_ =	shalt  }
0x59: {  	_ =	shalt  }
0x5a: {  	_ =	shalt  }
0x5b: {  	_ =	shalt  }
0x5c: {  	_ =	shalt  }
0x5d: {  	_ =	shalt  }
0x5e: {  	_ =	shalt  }
0x5f: {  	_ =	shalt  }
0x60: {  	_ =	shalt  }
0x61: {  	_ =	shalt  }
0x62: {  	_ =	shalt  }
0x63: {  	_ =	shalt  }
0x64: {  	_ =	shalt  }
0x65: {  	_ =	shalt  }
0x66: {  	_ =	shalt  }
0x67: {  	_ =	shalt  }
0x68: {  	_ =	shalt  }
0x69: {  	_ =	shalt  }
0x6a: {  	_ =	shalt  }
0x6b: {  	_ =	shalt  }
0x6c: {  	_ =	shalt  }
0x6d: {  	_ =	shalt  }
0x6e: {  	_ =	shalt  }
0x6f: {  	_ =	shalt  }
0x70: {  	_ =	shalt  }
0x71: {  	_ =	shalt  }
0x72: {  	_ =	shalt  }
0x73: {  	_ =	shalt  }
0x74: {  	_ =	shalt  }
0x75: {  	_ =	shalt  }
0x76: {  	_ =	shalt  }
0x77: {  	_ =	shalt  }
0x78: {  	_ =	shalt  }
0x79: {  	_ =	shalt  }
0x7a: {  	_ =	shalt  }
0x7b: {  	_ =	shalt  }
0x7c: {  	_ =	shalt  }
0x7d: {  	_ =	shalt  }
0x7e: {  	_ =	shalt  }
0x7f: {  	_ =	shalt  }
0x80: {  	_ =	shalt  }
0x81: {  	_ =	shalt  }
0x82: {  	_ =	shalt  }
0x83: {  	_ =	shalt  }
0x84: {  	_ =	shalt  }
0x85: {  	_ =	shalt  }
0x86: {  	_ =	shalt  }
0x87: {  	_ =	shalt  }
.Lfunc_end0:
.L_simem_size_0:
called_computation_lowered:
.L_overlay_start_0:
0x88: {  	s2 =	sld [smem:$0x3FD9]  }
0x89: {  	s3 =	sld [smem:$0x3FFE];
	_ =	sdelay $0x1  }
0x8a: {  	s1 =	srdreg.scid  }
0x8b: {  	s0 =	sand.u32 $0x1, s1  }
0x8c: {  	s14 =	sshll.u32 s0, $0xA;
	s2 =	sadd.s32 s3, s2  }
0x8d: {  	s2 =	sadd.s32 s2, s14  }
0x8e: {  	[smem:$0x3FC6] =	sst s2  }
0x8f: {  	_ = 	snop  }
0x90: {  	s2 =	sld [smem:$0x3FD0];
	_ =	sdelay $0x2  }
0x91: {  	s15 =	simm.s32 $0xA;
	s4 =	simm.s32 $0x10  }
0x92: {  	[smem:s4], [sflag:s15] =	dma.local [hbm:s2], $0x1  }
0x93: {  	_ =	swait.eq [sflag:s15], $0x1  }
0x94: {  	[sflag:s15] =	ssyncset.done $0x0  }
0x95: {  	s16 =	sld [smem:$0x10];
	[sflag:s15] =	ssyncadd.s32 $0xFFFFFFFF  }
0x96: {  	s17 =	sld [smem:$0x12];
	(tm) =	ssettm $0x1  }
0x97: {  	s18 =	sld [smem:$0x3FFB];
	_ =	sdelay $0x3  }
0x98: {  	_ =	strace s18  }
0x99: {  	s4 =	sld [smem:$0x3FFC];
	_ =	sdelay $0x3  }
0x9a: {  	_ =	strace s4  }
0x9b: {  	s4 =	sld [smem:$0x3FFD];
	_ =	sdelay $0x3  }
0x9c: {  	_ =	strace s4  }
0x9d: {  	_ =	strace $0x8FFFFFFF  }
0x9e: {  	s19 =	sld [smem:$0x3FDB];
	_ =	sdelay $0x1  }
0x9f: {  	s5 =	simm.s32 $_scs_section_size  }
0xa0: {  	s6 =	simm.s32 $_size__tile_overlayer_lowered;
	s7 =	simm.s32 $_tile_overlayer_lowered  }
0xa1: {  	s22 =	simm.s32 $0x1BFF;
	s21 =	sshll.u32 s7, $0x1;
	s4 =	sadd.s32 s5, s19  }
0xa2: {  	s8 =	simm.s32 $0x0;
	s20 =	sshll.u32 s6, $0x1;
	s6 =	sadd.s32 s21, s4  }
0xa3: {  	[timem:s8], [sflag:s22] =	dma.local [hbm:s6], s20  }
0xa4: {  	_ =	swait.ge [sflag:s22], s20  }
0xa5: {  	s5 =	ssub.s32 $0x0, s20;
	[sflag:s22] =	ssyncset.done $0x0  }
0xa6: {  	[sflag:s22] =	ssyncadd.s32 s5;
	_ =	sdelay $0x1  }
0xa7: {  	s23 =	simm.s32 $0x1B8B  }
0xa8: {  	_ =	swait.ge [sflag:s23], $0x1  }
0xa9: {  	[sflag:s23] =	ssyncset.done $0x0  }
0xaa: {  	s25 =	simm.s32 $0x1B8E;
	s24 =	sld [smem:$0x3FFE];
	[sflag:s23] =	ssyncadd.s32 $0xFFFFFFFF  }
0xab: {  	s26 =	simm.s32 $execute0_lowered;
	[smem:$0x3FD2] =	sst s25  }
0xac: {  	s6 =	sshll.u32 s26, $0x1;
	_ =	strace $0x80000046;
	[dreg:$0x1] =	wrdreg $0xFFFFFFFF  }
0xad: {  	s28 =	simm.s32 $_size_execute0_lowered;
	s4 =	sadd.s32 s4, s6;
	[dreg:$0x0] =	wrdreg $0x0  }
0xae: {  	s6 =	sshll.u32 s28, $0x1;
	[dreg:$0x2] =	wrdreg s4  }
0xaf: {  	[dreg:$0x3] =	wrdreg s6  }
0xb0: {  	[dreg:$0x4] =	wrdreg $0xC0  }
0xb1: {  	_ =	task [dreg:s8], $0x5FFFF  }
0xb2: {  	[dreg:$0x1] =	wrdreg $0xFFFFFFFF  }
0xb3: {  	[dreg:$0x0] =	wrdreg $0x60  }
0xb4: {  	[dreg:$0x2] =	wrdreg s17  }
0xb5: {  	[dreg:$0x3] =	wrdreg s16  }
0xb6: {  	[dreg:$0x4] =	wrdreg s24  }
0xb7: {  	[dreg:$0x5] =	wrdreg $0x9  }
0xb8: {  	_ =	task.clear_ibuf [dreg:s8], $0x6FFFF;
	_ =	strace $0x90000046  }
0xb9: {  	s29 =	simm.s32 $0x9;
	_ =	strace $0x80000048  }
0xba: {  	_ =	swait.ge [sflag:s29], $0x1  }
0xbb: {  	[sflag:s29] =	ssyncadd.s32 $0xFFFFFFFF  }
0xbc: {  	_ =	strace $0x90000048  }
0xbd: {  	_ =	sfence  }
0xbe: {  	s30 =	sld [smem:$0x0];
	_ =	sdelay $0x2  }
0xbf: {  	s31 =	sshll.u32 s1, $0xD;
	s1 =	sshrl.u32 s1, $0x2  }
0xc0: {  	s3 =	sand.u32 $0x4000, s31;
	s1 =	sadd.s32 s1, s30  }
0xc1: {  	s0 =	sor.u32 s3, s0;
	s1 =	sshll.u32 s1, $0x11  }
0xc2: {  	s0 =	sor.u32 s1, s0  }
0xc3: {  	s0 =	sadd.s32 $0x8F2B, s0  }
0xc4: {  	[sflag:s0] =	ssyncadd.remote.s32 $0x1  }
0xc5: {  	_ =	sfence.sel $0xFFFF  }
0xc6: {  	[dreg:$0x0] =	wrdreg $0xFFFFFFFF;
	(pc) =	sbr.abs _section_cstart, $3  }
0xc7: {  	[dreg:$0x1] =	wrdreg $0xFFFFFFFF  }
0xc8: {  	_ =	task.clear_ibuf [dreg:s8], $0x2FFFF;
	_ =	strace $0x9FFFFFFF  }
0xc9: {  	(tm) =	ssettm $0x7FFFFFFF  }
tec
execute0_lowered:
.L_overlay_start_1:
0x0: {  	(tag) =	ssettag $0x1  }
0x1: {  	s1 =	srdreg.scid;
	s0 =	stileid.u32  }
0x2: {  	s4 =	rddreg [dreg:$0x0];
	s11 =	sand.u32 $0x1, s1;
	s29 =	sshll.u32 s0, $0x1  }
0x3: {  	s2 =	rddreg [dreg:$0x1];
	s12 =	sor.u32 s11, s29  }
0x4: {  	s13 =	rddreg [dreg:$0x2];
	s6 =	sshll.u32 s0, $0x3;
	s5 =	sshll.u32 s12, $0x8  }
0x5: {  	s3 =	simm.s32 $0x0;
	s1 =	rddreg [dreg:$0x3];
	s5 =	sor.u32 s6, s5  }
0x6: {  	[smem:$0x7FF] =	sst s3;
	s5 =	sand.u32 $0x370, s5  }
0x7: {  	_ =	strace $0x80000047;
	s5 =	sadd.s32 s4, s5;
	s4 =	simm.s32 $0x2  }
0x8: {  	[tilespmem:s3], [sflag:$0x2] =	stream.linear.gather [hbm4b:s5+s3], $0x80, $0x38;
	[tilespmem:$0x8100] =	vst v63  }
0x9: {  	_ =	swait.ge [sflag:s4], $0x80  }
0xa: {  	[sflag:s4] =	ssyncset.done $0x0  }
0xb: {  	s7 =	simm.s32 $0x80;
	s6 =	sadd.s32 $0x80, s5;
	[sflag:s4] =	ssyncadd.s32 $0xFFFFFF80  }
0xc: {  	[tilespmem:s7], [sflag:$0x2] =	stream.linear.gather [hbm4b:s6+s3], $0x80, $0x38;
	[tilespmem:$0x8100] =	vst v63  }
0xd: {  	_ =	swait.ge [sflag:s4], $0x80  }
0xe: {  	[sflag:s4] =	ssyncset.done $0x0  }
0xf: {  	s8 =	simm.s32 $0x100;
	[sflag:s4] =	ssyncadd.s32 $0xFFFFFF80  }
0x10: {  	[tilespmem:s8], [sflag:$0x1] =	stream.indirect.gather [hbm4b:s2+s7], $0x80, s3, s7, $0xb8;
	[tilespmem:$0x8100] =	vst v63  }
0x11: {  	s9 =	simm.s32 $0x4100;
	s10 =	simm.s32 $0x1;
	s11 =	ssub.s32 $0x2, s11  }
0x12: {  	[tilespmem:s9], [sflag:$0x1] =	stream.indirect.gather [hbm4b:s2+s7], $0x80, s7, s7, $0xb8;
	[tilespmem:$0x8100] =	vst v63  }
0x13: {  	s14 =	sshrl.u32 s11, $0x1;
	_ =	swait.ge [sflag:s10], $0x4000  }
0x14: {  	s14 =	ssub.s32 s11, s14;
	[sflag:s10] =	ssyncset.done $0x0  }
0x15: {  	s31 =	smax.u32 s14, $0x1;
	[sflag:s10] =	ssyncadd.s32 $0xFFFFC000  }
0x16: {  	p0 =	sne.s32 s31, $0x1;
	_ =	swait.ge [sflag:s10], $0x4000  }
.Ltmp0:
0x17: {  	s30 =	sshll.u32 s12, $0xC;
	[sflag:s10] =	ssyncset.done $0x0;
	(pc) =	sbr.rel @!p0 .LBB2_2-.Ltmp0, $4  }
0x18: {  	s11 =	sadd.s32 s13, s30;
	[sflag:s10] =	ssyncadd.s32 $0xFFFFC000  }
0x19: {  	[hbm4b:s11+s3] =	stream.linear.scatter [tilespmem:s8], [sflag:$0x2], $0x8000, $0x38;
	[tilespmem:$0x8100] =	vst v63  }
0x1a: {  	_ =	swait.ge [sflag:s4], $0x8000  }
0x1b: {  	s12 =	sadd.s32 $0xFFFFFFFF, s31;
	[sflag:s4] =	ssyncset.done $0x0  }
.LBB2_1:
0x1c: {  	p0 =	sne.s32 s12, $0x1;
	s12 =	sadd.s32 $0xFFFFFFFF, s12;
	[sflag:s4] =	ssyncadd.s32 $0xFFFF8000  }
0x1d: {  	[tilespmem:s3], [sflag:$0x2] =	stream.linear.gather [hbm4b:s5+s3], $0x80, $0x38;
	[tilespmem:$0x8100] =	vst v63  }
0x1e: {  	_ =	swait.ge [sflag:s4], $0x80  }
0x1f: {  	[sflag:s4] =	ssyncset.done $0x0  }
0x20: {  	[sflag:s4] =	ssyncadd.s32 $0xFFFFFF80  }
0x21: {  	[tilespmem:s7], [sflag:$0x2] =	stream.linear.gather [hbm4b:s6+s3], $0x80, $0x38;
	[tilespmem:$0x8100] =	vst v63  }
0x22: {  	_ =	swait.ge [sflag:s4], $0x80  }
0x23: {  	[sflag:s4] =	ssyncset.done $0x0  }
0x24: {  	[sflag:s4] =	ssyncadd.s32 $0xFFFFFF80  }
0x25: {  	[tilespmem:s8], [sflag:$0x1] =	stream.indirect.gather [hbm4b:s2+s7], $0x80, s3, s7, $0xb8;
	[tilespmem:$0x8100] =	vst v63  }
0x26: {  	_ = 	snop  }
0x27: {  	[tilespmem:s9], [sflag:$0x1] =	stream.indirect.gather [hbm4b:s2+s7], $0x80, s7, s7, $0xb8;
	[tilespmem:$0x8100] =	vst v63  }
0x28: {  	_ =	swait.ge [sflag:s10], $0x4000  }
0x29: {  	[sflag:s10] =	ssyncset.done $0x0  }
0x2a: {  	[sflag:s10] =	ssyncadd.s32 $0xFFFFC000  }
0x2b: {  	_ =	swait.ge [sflag:s10], $0x4000  }
.Ltmp1:
0x2c: {  	[sflag:s10] =	ssyncset.done $0x0;
	(pc) =	sbr.rel @p0 .LBB2_1-.Ltmp1, $4  }
0x2d: {  	[sflag:s10] =	ssyncadd.s32 $0xFFFFC000  }
0x2e: {  	[hbm4b:s11+s3] =	stream.linear.scatter [tilespmem:s8], [sflag:$0x2], $0x8000, $0x38;
	[tilespmem:$0x8100] =	vst v63  }
0x2f: {  	_ =	swait.ge [sflag:s4], $0x8000  }
0x30: {  	[sflag:s4] =	ssyncset.done $0x0  }
.LBB2_2:
0x31: {  	[sflag:s4] =	ssyncadd.s32 $0xFFFF8000  }
0x32: {  	_ =	sfence.sel $0x180000  }
0x33: {  	[bflag:$0x0] =	sbarrier.arrive $0xFFFF  }
0x34: {  	p0 =	sne.s32 s0, $0x0;
	_ =	strace $0x90000047  }
0x35: {  	s0 =	sadd.s32 @!p0 $0x100000, s1;
	[bflag:$0x2] =	sbarrier.arrive $0xFFFF  }
0x36: {  	[sflag:s0] =	ssyncadd.tile.s32 @!p0 $0x1;
	_ =	shalt  }
.Lfunc_end2:
_tile_overlayer_lowered:
.L_overlay_start_2:
0x37: {  	(tag) =	ssettag $0x2  }
0x38: {  	s0 =	rddreg [dreg:$0x0];
	s2 =	stileid.u32  }
0x39: {  	s1 =	rddreg [dreg:$0x1];
	p0 =	sne.s32 s2, $0x0  }
0x3a: {  	s3 =	rddreg [dreg:$0x2];
	[bflag:$0x3] =	sbarrier.arrive $0xFFFF;
	s2 =	simm.s32 @!p0 $0x1C02  }
0x3b: {  	[timem:s3], [sflag:s2] =	dma.local @!p0 [hbm:s0], s1  }
0x3c: {  	s0 =	simm.s32 @!p0 $0x2  }
0x3d: {  	_ =	swait.ge @!p0 [sflag:s0], s1  }
0x3e: {  	s1 =	ssub.s32 @!p0 $0x0, s1;
	[sflag:s0] =	ssyncset.done @!p0 $0x0  }
0x3f: {  	[sflag:s0] =	ssyncadd.s32 @!p0 s1  }
0x40: {  	[bflag:$0x3] =	sbarrier.arrive $0xFFFF  }
0x41: {  	_ =	shalt  }

</sc_bundles>
